<compile_context>
chip_gen: v7x
topology: tpu7x:2x2x1
jax: 0.10.2.dev20260603
libtpu: 0.0.44.dev20260713+nightly
codegen_flags: <defaults>
</compile_context>

<pallas_src>
import jax
import jax.numpy as jnp
from jax.experimental import pallas as pl
from jax.experimental.pallas import tpu as pltpu

N_CENTERS = 16
HIDDEN = 64


def _knn(out_pts, pts, K):
    d2 = (jnp.sum(out_pts ** 2, -1)[:, :, None]
          - 2.0 * jnp.einsum('bmd,bnd->bmn', out_pts, pts)
          + jnp.sum(pts ** 2, -1)[:, None, :])
    _, idx = jax.lax.top_k(-d2, K)
    return idx


def _composite_conv(x, pts, K, npts, centers, W1, W2, Wl, b):
    B = x.shape[0]
    out_pts = pts[:, :npts, :]
    idx = _knn(out_pts, pts, K)
    bidx = jnp.arange(B)[:, None, None]
    x_nb = x[bidx, idx]
    pts_nb = pts[bidx, idx]
    rel = pts_nb - out_pts[:, :, None, :]
    dmat = jnp.sqrt(jnp.sum((rel[:, :, :, None, :] - centers[None, None, None, :, :]) ** 2, -1) + 1e-12)
    w = jax.nn.relu(jnp.einsum('bmkc,ch->bmkh', dmat, W1))
    w = jnp.einsum('bmkh,hc->bmkc', w, W2)
    feat = jnp.einsum('bmkf,bmkc->bmcf', x_nb, w) / K
    out = feat.reshape(B, npts, -1) @ Wl + b
    return out, out_pts


def _apply_bn(v):
    B, M, C = v.shape
    vf = v.reshape(-1, C)
    mu = vf.mean(0)
    var = vf.var(0)
    return ((vf - mu) / jnp.sqrt(var + 1e-4)).reshape(B, M, C)


def _leaky(v):
    return jax.nn.leaky_relu(v, 0.1)


def _fc_head_kernel(x4_ref, fcW_ref, fc2W_ref, xout_ref, xreg_ref):
    x = x4_ref[...]
    xout = jnp.dot(x, fcW_ref[...], preferred_element_type=jnp.float32)
    xout_ref[...] = xout
    lk = jnp.where(xout > 0, xout, 0.1 * xout)
    xreg_ref[...] = jnp.dot(lk, fc2W_ref[...], preferred_element_type=jnp.float32)


def _fc_head(x4flat, fcout_W, fcout2_W):
    B = x4flat.shape[0]
    return pl.pallas_call(
        _fc_head_kernel,
        out_shape=(
            jax.ShapeDtypeStruct((B, fcout_W.shape[1]), jnp.float32),
            jax.ShapeDtypeStruct((B, fcout2_W.shape[1]), jnp.float32),
        ),
    )(x4flat, fcout_W, fcout2_W)


@jax.jit
def kernel(x, input_pts, c1_centers, c1_W1, c1_W2, c1_Wl, c1_b, c3_centers, c3_W1, c3_W2, c3_Wl, c3_b,
           c4_centers, c4_W1, c4_W2, c4_Wl, c4_b, fcout_W, fcout2_W):
    x1, p1 = _composite_conv(x, input_pts, 32, 128, c1_centers, c1_W1, c1_W2, c1_Wl, c1_b)
    x1 = _leaky(x1)
    x3, p3 = _composite_conv(x1, p1, 32, 32, c3_centers, c3_W1, c3_W2, c3_Wl, c3_b)
    x3 = _leaky(_apply_bn(x3))
    x4, p4 = _composite_conv(x3, p3, 32, 1, c4_centers, c4_W1, c4_W2, c4_Wl, c4_b)
    x4 = _leaky(x4)
    xout_flat = x4.reshape(x4.shape[0], -1)
    return _fc_head(xout_flat, fcout_W, fcout2_W)

# --- scband reference (transcript-rebuilt; emitter-appended) ---
"""Pipeline reference for scband-adcomposite-net-10677288698236 (READ-ONLY COPY).

The authoritative reference and input builder live on the scoring server;
editing this copy changes nothing except your own understanding.
"""

import jax, jax.numpy as jnp
import numpy as np

N_CENTERS = 16
HIDDEN = 64


def _knn(out_pts, pts, K):
    d2 = (jnp.sum(out_pts ** 2, -1)[:, :, None]
          - 2.0 * jnp.einsum('bmd,bnd->bmn', out_pts, pts)
          + jnp.sum(pts ** 2, -1)[:, None, :])
    _, idx = jax.lax.top_k(-d2, K)
    return idx


def _composite_conv(x, pts, K, npts, centers, W1, W2, Wl, b):
    B = x.shape[0]
    out_pts = pts[:, :npts, :]
    idx = _knn(out_pts, pts, K)
    bidx = jnp.arange(B)[:, None, None]
    x_nb = x[bidx, idx]
    pts_nb = pts[bidx, idx]
    rel = pts_nb - out_pts[:, :, None, :]
    dmat = jnp.sqrt(jnp.sum((rel[:, :, :, None, :] - centers[None, None, None, :, :]) ** 2, -1) + 1e-12)
    w = jax.nn.relu(jnp.einsum('bmkc,ch->bmkh', dmat, W1))
    w = jnp.einsum('bmkh,hc->bmkc', w, W2)
    feat = jnp.einsum('bmkf,bmkc->bmcf', x_nb, w) / K
    out = feat.reshape(B, npts, -1) @ Wl + b
    return out, out_pts


def _apply_bn(v):
    B, M, C = v.shape
    vf = v.reshape(-1, C)
    mu = vf.mean(0)
    var = vf.var(0)
    return ((vf - mu) / jnp.sqrt(var + 1e-4)).reshape(B, M, C)


def _leaky(v):
    return jax.nn.leaky_relu(v, 0.1)


def setup_inputs(seed: int = 0):
    key = jax.random.key(seed)
    ks = jax.random.split(key, 20)
    pl = 64
    nc = N_CENTERS
    inp = {}
    inp['x'] = jax.random.normal(ks[0], (32, 16384, 3), jnp.float32)
    inp['input_pts'] = jax.random.uniform(ks[1], (32, 16384, 3), jnp.float32)
    # cv1: 3 -> pl
    inp['c1_centers'] = jax.random.normal(ks[2], (nc, 3), jnp.float32) * 0.2
    inp['c1_W1'] = jax.random.normal(ks[3], (nc, HIDDEN), jnp.float32) * 0.1
    inp['c1_W2'] = jax.random.normal(ks[4], (HIDDEN, nc), jnp.float32) * 0.1
    inp['c1_Wl'] = jax.random.normal(ks[5], (nc * 3, pl), jnp.float32) * 0.1
    inp['c1_b'] = jnp.zeros((pl,), jnp.float32)
    # cv3: pl -> 2*pl
    inp['c3_centers'] = jax.random.normal(ks[6], (nc, 3), jnp.float32) * 0.2
    inp['c3_W1'] = jax.random.normal(ks[7], (nc, HIDDEN), jnp.float32) * 0.1
    inp['c3_W2'] = jax.random.normal(ks[8], (HIDDEN, nc), jnp.float32) * 0.1
    inp['c3_Wl'] = jax.random.normal(ks[9], (nc * pl, 2 * pl), jnp.float32) * 0.05
    inp['c3_b'] = jnp.zeros((2 * pl,), jnp.float32)
    # cv4: 2*pl -> 4*pl
    inp['c4_centers'] = jax.random.normal(ks[10], (nc, 3), jnp.float32) * 0.2
    inp['c4_W1'] = jax.random.normal(ks[11], (nc, HIDDEN), jnp.float32) * 0.1
    inp['c4_W2'] = jax.random.normal(ks[12], (HIDDEN, nc), jnp.float32) * 0.1
    inp['c4_Wl'] = jax.random.normal(ks[13], (nc * 2 * pl, 4 * pl), jnp.float32) * 0.05
    inp['c4_b'] = jnp.zeros((4 * pl,), jnp.float32)
    inp['fcout_W'] = jax.random.normal(ks[14], (4 * pl, 128), jnp.float32) * 0.05
    inp['fcout2_W'] = jax.random.normal(ks[15], (128, 20), jnp.float32) * 0.1
    return inp


def reference(x, input_pts, c1_centers, c1_W1, c1_W2, c1_Wl, c1_b,
              c3_centers, c3_W1, c3_W2, c3_Wl, c3_b,
              c4_centers, c4_W1, c4_W2, c4_Wl, c4_b,
              fcout_W, fcout2_W):
    x1, p1 = _composite_conv(x, input_pts, 32, 128, c1_centers, c1_W1, c1_W2, c1_Wl, c1_b)
    x1 = _leaky(x1)
    x3, p3 = _composite_conv(x1, p1, 32, 32, c3_centers, c3_W1, c3_W2, c3_Wl, c3_b)
    x3 = _leaky(_apply_bn(x3))
    x4, p4 = _composite_conv(x3, p3, 32, 1, c4_centers, c4_W1, c4_W2, c4_Wl, c4_b)
    x4 = _leaky(x4)
    xout = x4.reshape(x4.shape[0], -1)
    # dropout is identity in eval mode
    xout = xout @ fcout_W
    xreg = _leaky(xout) @ fcout2_W
    return (xout, xreg)

if __name__ == "__main__":
    import jax
    _d = setup_inputs()
    print(jax.jit(kernel)(*tuple(_d.values())))

</pallas_src>

<mosaic_0001>
module attributes {stable_mosaic.version = 14 : i64} {
  func.func @_fc_head_kernel(%arg0: memref<32x256xf32, #tpu.memory_space<vmem>>, %arg1: memref<256x128xf32, #tpu.memory_space<vmem>>, %arg2: memref<128x20xf32, #tpu.memory_space<vmem>>, %arg3: memref<32x128xf32, #tpu.memory_space<vmem>>, %arg4: memref<32x20xf32, #tpu.memory_space<vmem>>) attributes {dimension_semantics = [], scalar_prefetch = 0 : i64, scratch_operands = 0 : i64, tpu.core_type = #tpu.core_type<tc>} {
    %get3A = arith.constant 0 : index
    %get3A_0 = arith.constant 0 : index
    %get3A_1 = vector.load %arg0[%get3A, %get3A_0] : memref<32x256xf32, #tpu.memory_space<vmem>>, vector<32x256xf32>
    %get3A_2 = arith.constant 0 : index
    %get3A_3 = arith.constant 0 : index
    %get3A_4 = vector.load %arg1[%get3A_2, %get3A_3] : memref<256x128xf32, #tpu.memory_space<vmem>>, vector<256x128xf32>
    %dot_general3A = arith.constant dense<0.000000e+00> : vector<32x128xf32>
    %dot_general3A_5 = tpu.matmul %get3A_1, %get3A_4, %dot_general3A {dimension_numbers = #tpu.dot_dimension_numbers<[1], [0], [0], [1], [0, 0, 1, 1], [], []>, transpose_lhs_hint = false} : vector<32x256xf32>, vector<256x128xf32>, vector<32x128xf32> -> vector<32x128xf32>
    %swap3A = arith.constant 0 : index
    %swap3A_6 = arith.constant 0 : index
    %swap3A_7 = vector.load %arg3[%swap3A, %swap3A_6] : memref<32x128xf32, #tpu.memory_space<vmem>>, vector<32x128xf32>
    tpu.vector_store %arg3[%swap3A, %swap3A_6], %dot_general3A_5 {strides = array<i32>} : memref<32x128xf32, #tpu.memory_space<vmem>>, vector<32x128xf32>,
    %gt3A = arith.constant 0.000000e+00 : f32
    %gt3A_8 = vector.broadcast %gt3A : f32 to vector<32x128xf32>
    %gt3A_9 = arith.cmpf ogt, %dot_general3A_5, %gt3A_8 : vector<32x128xf32>
    %mul3A = arith.constant 1.000000e-01 : f32
    %mul3A_10 = vector.broadcast %mul3A : f32 to vector<32x128xf32>
    %mul3A_11 = arith.mulf %mul3A_10, %dot_general3A_5 : vector<32x128xf32>
    %select_n3A = arith.select %gt3A_9, %dot_general3A_5, %mul3A_11 : vector<32x128xi1>, vector<32x128xf32>
    %get3A_12 = arith.constant 0 : index
    %get3A_13 = arith.constant 0 : index
    %get3A_14 = vector.load %arg2[%get3A_12, %get3A_13] : memref<128x20xf32, #tpu.memory_space<vmem>>, vector<128x20xf32>
    %dot_general3A_15 = arith.constant dense<0.000000e+00> : vector<32x20xf32>
    %dot_general3A_16 = tpu.matmul %select_n3A, %get3A_14, %dot_general3A_15 {dimension_numbers = #tpu.dot_dimension_numbers<[1], [0], [0], [1], [0, 0, 1, 1], [], []>, transpose_lhs_hint = false} : vector<32x128xf32>, vector<128x20xf32>, vector<32x20xf32> -> vector<32x20xf32>
    %swap3A_17 = arith.constant 0 : index
    %swap3A_18 = arith.constant 0 : index
    %swap3A_19 = vector.load %arg4[%swap3A_17, %swap3A_18] : memref<32x20xf32, #tpu.memory_space<vmem>>, vector<32x20xf32>
    tpu.vector_store %arg4[%swap3A_17, %swap3A_18], %dot_general3A_16 {strides = array<i32>} : memref<32x20xf32, #tpu.memory_space<vmem>>, vector<32x20xf32>,
    return
  }
}

</mosaic_0001>

<sc_bundles>
// kernel: gather_offload_async_start
scs
__scs_entry_jumppad:
0x0: {  	(pc) =	sbr.rel $0x88, $3  }
0x1: {  	(tag) =	ssettag $0x0;
	lr =	simm.s32 $0x1  }
0x2: {  	[smem:$0x3F8E] =	sst lr;
	_ =	strace $0xD0000000  }
0x3: {  	_ = 	snop  }
0x4: {  	_ = 	snop  }
0x5: {  	_ = 	snop  }
0x6: {  	_ = 	snop  }
0x7: {  	_ = 	snop  }
__scs_overlays_trampoline_lowered:
0x8: {  	[smem:$0x3F9D] =	sst s0  }
0x9: {  	[smem:$0x3F9E] =	sst s1  }
0xa: {  	[smem:$0x3F9F] =	sst s2  }
0xb: {  	[smem:$0x3FA0] =	sst s3  }
0xc: {  	[smem:$0x3FA1] =	sst s4  }
0xd: {  	[smem:$0x3FA2] =	sst s5  }
0xe: {  	[smem:$0x3FA3] =	sst s6  }
0xf: {  	[smem:$0x3FA4] =	sst s7  }
0x10: {  	[smem:$0x3FA5] =	sst s8  }
0x11: {  	[smem:$0x3FA6] =	sst s9;
	s0 =	simm.s32 @!p0 $0x0  }
0x12: {  	s1 =	sld [smem:$0x3F8C];
	s0 =	simm.s32 @p0 $0x1  }
0x13: {  	[smem:$0x3FA7] =	sst s0;
	s0 =	simm.s32 @!p1 $0x0  }
0x14: {  	s2 =	sld [smem:$0x3F8B];
	s0 =	simm.s32 @p1 $0x1  }
0x15: {  	[smem:$0x3FA8] =	sst s0;
	s0 =	simm.s32 @!p2 $0x0  }
0x16: {  	s3 =	sld [smem:$0x3FDB];
	s0 =	simm.s32 @p2 $0x1  }
0x17: {  	s4 =	simm.s32 $0x1BF5;
	[smem:$0x3FAA] =	sst s0  }
0x18: {  	s0 =	sld [smem:$0x3F8D];
	_ =	swait.ge [sflag:s4], $0x0  }
0x19: {  	s7 =	sld [smem:$0x3F8E]  }
0x1a: {  	s8 =	sadd.s32 $0xFFFFE003, lr  }
0x1b: {  	s9 =	sadd.s32 $0xFFFFFEF7, lr;
	s5 =	simm.s32 $0xFFFFFFFF;
	p2 =	slt.u32 s8, $0xFFFFF086  }
0x1c: {  	p1 =	slt.u32 s9, $0xF7A;
	s5 =	simm.s32 @!p2 $0x0  }
0x1d: {  	s5 =	simm.s32 @p1 $0x1;
	p0 =	seq.s32 s7, s2  }
0x1e: {  	s7 =	smul.u32 @!p0 $0xF7A, s2;
	p2 =	seq.s32 @!p0 s5, $0x0  }
0x1f: {  	s9 =	smul.u32 $0xF7A, s1;
	s8 =	simm.s32 @!p0 $0x1BF5;
	p2 =	por !p2, p0  }
0x20: {  	[sflag:s8] =	ssyncset.s32 @!p0 $0xFFFFF086;
	s6 =	sadd.s32 @!p0 s3, s7;
	s7 =	simm.s32 @!p0 $0x108  }
0x21: {  	s3 =	sadd.s32 s3, s9;
	s6 =	sadd.s32 @!p0 $0x88, s6;
	s7 =	simm.s32 @p2 $0x1082  }
0x22: {  	[simem:s7], [sflag:s8] =	dma.local @!p0 [hbm:s6], $0xF7A  }
0x23: {  	s9 =	sor.u32 $0xD0000000, s2;
	s6 =	simm.s32 $0x108;
	_ =	swait.ge @!p0 [sflag:s8], $0x0  }
0x24: {  	s3 =	sadd.s32 $0x88, s3;
	s6 =	simm.s32 @!p1 $0x1082;
	[sflag:s4] =	ssyncset.s32 $0xFFFFF086  }
0x25: {  	[simem:s6], [sflag:s4] =	dma.local [hbm:s3], $0xF7A  }
0x26: {  	[smem:$0x3F8E] =	sst s1;
	(tag) =	ssettag s2;
	_ =	strace s9  }
0x27: {  	s1 =	sld [smem:$0x3F9E]  }
0x28: {  	s2 =	sld [smem:$0x3F9F]  }
0x29: {  	s4 =	sld [smem:$0x3FA1]  }
0x2a: {  	p0 =	seq.s32 s5, $0x0;
	s5 =	sld [smem:$0x3FA2]  }
0x2b: {  	s6 =	sld [smem:$0x3FA3]  }
0x2c: {  	s7 =	sld [smem:$0x3FA4]  }
0x2d: {  	s3 =	simm.s32 $0x108;
	s8 =	sld [smem:$0x3FA5]  }
0x2e: {  	s3 =	simm.s32 @!p0 $0x1082;
	s9 =	sld [smem:$0x3FA6]  }
0x2f: {  	lr =	sadd.s32 s0, s3;
	s0 =	sld [smem:$0x3F9D]  }
0x30: {  	s3 =	sld [smem:$0x3FA0]  }
0x31: {  	[smem:$0x3FA9] =	sst s10  }
0x32: {  	s10 =	sld [smem:$0x3FA7];
	_ =	sdelay $0x3  }
0x33: {  	p0 =	seq.s32 s10, $0x1;
	s10 =	sld [smem:$0x3FA9];
	_ =	sdelay $0x3  }
0x34: {  	[smem:$0x3FA9] =	sst s10  }
0x35: {  	s10 =	sld [smem:$0x3FA8];
	_ =	sdelay $0x3  }
0x36: {  	p1 =	seq.s32 s10, $0x1;
	s10 =	sld [smem:$0x3FA9];
	_ =	sdelay $0x3  }
0x37: {  	[smem:$0x3FA9] =	sst s10  }
0x38: {  	s10 =	sld [smem:$0x3FAA]  }
0x39: {  	_ = 	snop;
	(pc) =	sbr.ind lr, $3  }
0x3a: {  	_ = 	snop  }
0x3b: {  	_ = 	snop  }
0x3c: {  	p2 =	seq.s32 s10, $0x1;
	s10 =	sld [smem:$0x3FA9]  }
0x3d: {  	_ =	shalt  }
0x3e: {  	_ =	shalt  }
0x3f: {  	_ =	shalt  }
0x40: {  	_ =	shalt  }
0x41: {  	_ =	shalt  }
0x42: {  	_ =	shalt  }
0x43: {  	_ =	shalt  }
0x44: {  	_ =	shalt  }
0x45: {  	_ =	shalt  }
0x46: {  	_ =	shalt  }
0x47: {  	_ =	shalt  }
0x48: {  	_ =	shalt  }
0x49: {  	_ =	shalt  }
0x4a: {  	_ =	shalt  }
0x4b: {  	_ =	shalt  }
0x4c: {  	_ =	shalt  }
0x4d: {  	_ =	shalt  }
0x4e: {  	_ =	shalt  }
0x4f: {  	_ =	shalt  }
0x50: {  	_ =	shalt  }
0x51: {  	_ =	shalt  }
0x52: {  	_ =	shalt  }
0x53: {  	_ =	shalt  }
0x54: {  	_ =	shalt  }
0x55: {  	_ =	shalt  }
0x56: {  	_ =	shalt  }
0x57: {  	_ =	shalt  }
0x58: {  	_ =	shalt  }
0x59: {  	_ =	shalt  }
0x5a: {  	_ =	shalt  }
0x5b: {  	_ =	shalt  }
0x5c: {  	_ =	shalt  }
0x5d: {  	_ =	shalt  }
0x5e: {  	_ =	shalt  }
0x5f: {  	_ =	shalt  }
0x60: {  	_ =	shalt  }
0x61: {  	_ =	shalt  }
0x62: {  	_ =	shalt  }
0x63: {  	_ =	shalt  }
0x64: {  	_ =	shalt  }
0x65: {  	_ =	shalt  }
0x66: {  	_ =	shalt  }
0x67: {  	_ =	shalt  }
0x68: {  	_ =	shalt  }
0x69: {  	_ =	shalt  }
0x6a: {  	_ =	shalt  }
0x6b: {  	_ =	shalt  }
0x6c: {  	_ =	shalt  }
0x6d: {  	_ =	shalt  }
0x6e: {  	_ =	shalt  }
0x6f: {  	_ =	shalt  }
0x70: {  	_ =	shalt  }
0x71: {  	_ =	shalt  }
0x72: {  	_ =	shalt  }
0x73: {  	_ =	shalt  }
0x74: {  	_ =	shalt  }
0x75: {  	_ =	shalt  }
0x76: {  	_ =	shalt  }
0x77: {  	_ =	shalt  }
0x78: {  	_ =	shalt  }
0x79: {  	_ =	shalt  }
0x7a: {  	_ =	shalt  }
0x7b: {  	_ =	shalt  }
0x7c: {  	_ =	shalt  }
0x7d: {  	_ =	shalt  }
0x7e: {  	_ =	shalt  }
0x7f: {  	_ =	shalt  }
0x80: {  	_ =	shalt  }
0x81: {  	_ =	shalt  }
0x82: {  	_ =	shalt  }
0x83: {  	_ =	shalt  }
0x84: {  	_ =	shalt  }
0x85: {  	_ =	shalt  }
0x86: {  	_ =	shalt  }
0x87: {  	_ =	shalt  }
.Lfunc_end0:
.L_simem_size_0:
called_computation.1_lowered:
.L_overlay_start_0:
0x88: {  	s2 =	sld [smem:$0x3FD9]  }
0x89: {  	s3 =	sld [smem:$0x3FFE];
	_ =	sdelay $0x1  }
0x8a: {  	s1 =	srdreg.scid  }
0x8b: {  	s0 =	sand.u32 $0x1, s1  }
0x8c: {  	s16 =	sshll.u32 s0, $0xA;
	s2 =	sadd.s32 s3, s2  }
0x8d: {  	s2 =	sadd.s32 s2, s16  }
0x8e: {  	[smem:$0x3FB5] =	sst s2  }
0x8f: {  	_ = 	snop  }
0x90: {  	(tm) =	ssettm $0x1  }
0x91: {  	s17 =	sld [smem:$0x3FFB];
	_ =	sdelay $0x3  }
0x92: {  	_ =	strace s17  }
0x93: {  	s2 =	sld [smem:$0x3FFC];
	_ =	sdelay $0x3  }
0x94: {  	_ =	strace s2  }
0x95: {  	s2 =	sld [smem:$0x3FFD];
	_ =	sdelay $0x3  }
0x96: {  	_ =	strace s2  }
0x97: {  	_ =	strace $0x8FFFFFFF  }
0x98: {  	s18 =	sld [smem:$0x3FDB];
	_ =	sdelay $0x1  }
0x99: {  	s19 =	simm.s32 $_scs_section_size  }
0x9a: {  	s4 =	simm.s32 $_size__tile_overlayer_lowered;
	s5 =	simm.s32 $_tile_overlayer_lowered  }
0x9b: {  	s22 =	simm.s32 $0x1BFF;
	s21 =	sshll.u32 s5, $0x1;
	s2 =	sadd.s32 s19, s18  }
0x9c: {  	s6 =	simm.s32 $0x0;
	s20 =	sshll.u32 s4, $0x1;
	s4 =	sadd.s32 s21, s2  }
0x9d: {  	[timem:s6], [sflag:s22] =	dma.local [hbm:s4], s20  }
0x9e: {  	_ =	swait.ge [sflag:s22], s20  }
0x9f: {  	s3 =	ssub.s32 $0x0, s20;
	[sflag:s22] =	ssyncset.done $0x0  }
0xa0: {  	[sflag:s22] =	ssyncadd.s32 s3;
	_ =	sdelay $0x1  }
0xa1: {  	s23 =	simm.s32 $0x1B8B  }
0xa2: {  	_ =	swait.ge [sflag:s23], $0x1  }
0xa3: {  	[sflag:s23] =	ssyncset.done $0x0  }
0xa4: {  	s25 =	simm.s32 $0x1B8E;
	s24 =	sld [smem:$0x3FFE];
	[sflag:s23] =	ssyncadd.s32 $0xFFFFFFFF  }
0xa5: {  	s26 =	simm.s32 $execute0_lowered;
	[smem:$0x3FD2] =	sst s25  }
0xa6: {  	s4 =	sshll.u32 s26, $0x1;
	_ =	strace $0x80000049;
	[dreg:$0x1] =	wrdreg $0xFFFFFFFF  }
0xa7: {  	s28 =	simm.s32 $_size_execute0_lowered;
	s2 =	sadd.s32 s2, s4;
	[dreg:$0x0] =	wrdreg $0x0  }
0xa8: {  	s4 =	sshll.u32 s28, $0x1;
	[dreg:$0x2] =	wrdreg s2  }
0xa9: {  	[dreg:$0x3] =	wrdreg s4  }
0xaa: {  	[dreg:$0x4] =	wrdreg $0xC0  }
0xab: {  	_ =	task [dreg:s6], $0x5FFFF  }
0xac: {  	[dreg:$0x1] =	wrdreg $0xFFFFFFFF  }
0xad: {  	[dreg:$0x0] =	wrdreg $0x60  }
0xae: {  	[dreg:$0x2] =	wrdreg s24  }
0xaf: {  	[dreg:$0x3] =	wrdreg $0x9  }
0xb0: {  	_ =	task.clear_ibuf [dreg:s6], $0x4FFFF;
	_ =	strace $0x90000049  }
0xb1: {  	s29 =	simm.s32 $0x9;
	_ =	strace $0x8000004B  }
0xb2: {  	_ =	swait.ge [sflag:s29], $0x1  }
0xb3: {  	[sflag:s29] =	ssyncadd.s32 $0xFFFFFFFF  }
0xb4: {  	_ =	strace $0x9000004B  }
0xb5: {  	_ =	sfence  }
0xb6: {  	s30 =	sld [smem:$0x0];
	_ =	sdelay $0x2  }
0xb7: {  	s31 =	sshll.u32 s1, $0xD;
	s1 =	sshrl.u32 s1, $0x2  }
0xb8: {  	s3 =	sand.u32 $0x4000, s31;
	s1 =	sadd.s32 s1, s30  }
0xb9: {  	s0 =	sor.u32 s3, s0;
	s1 =	sshll.u32 s1, $0x11  }
0xba: {  	s0 =	sor.u32 s1, s0  }
0xbb: {  	s0 =	sadd.s32 $0x8F2B, s0  }
0xbc: {  	[sflag:s0] =	ssyncadd.remote.s32 $0x1  }
0xbd: {  	_ =	sfence.sel $0xFFFF  }
0xbe: {  	[dreg:$0x0] =	wrdreg $0xFFFFFFFF;
	(pc) =	sbr.abs _section_cstart, $3  }
0xbf: {  	[dreg:$0x1] =	wrdreg $0xFFFFFFFF  }
0xc0: {  	_ =	task.clear_ibuf [dreg:s6], $0x2FFFF;
	_ =	strace $0x9FFFFFFF  }
0xc1: {  	(tm) =	ssettm $0x7FFFFFFF  }
tec
execute0_lowered:
.L_overlay_start_1:
0x0: {  	(tag) =	ssettag $0x1  }
0x1: {  	s1 =	srdreg.scid;
	s0 =	stileid.u32  }
0x2: {  	s2 =	rddreg [dreg:$0x0];
	s5 =	simm.s32 $0x2;
	s1 =	sshll.u32 s1, $0xC  }
0x3: {  	s9 =	simm.s32 $0x3;
	s3 =	sshll.u32 s0, $0xD;
	s4 =	sand.u32 $0x1000, s1  }
0x4: {  	s12 =	simm.s32 $0x0;
	s11 =	simm.s32 $0x0;
	s3 =	sor.u32 s3, s4  }
0x5: {  	s1 =	rddreg [dreg:$0x1];
	_ =	strace $0x8000004A;
	s4 =	sshrl.u32 s3, $0x3  }
0x6: {  	s6 =	ssub.s32 $0x20000, s3;
	s8 =	sadd.s32 s4, s2;
	s4 =	simm.s32 $0x1  }
.Ltmp0:
0x7: {  	s7 =	sand.u32 $0x1F000, s6;
	s10 =	sshrl.u32 s6, $0x11;
	(pc) =	sbr.rel .LBB2_1-.Ltmp0, $4  }
0x8: {  	s6 =	sadd.s32 $0x44600, s2;
	p0 =	sne.s32 s7, $0x0;
	s7 =	simm.s32 $0x1  }
0x9: {  	[sflag:s4] =	ssyncpa.u1 $0x0;
	s8 =	sadd.s32 $0x40600, s8;
	s7 =	simm.s32 @!p0 $0x0  }
0xa: {  	[sflag:s5] =	ssyncpa.u1 $0x0;
	p0 =	por $0x0, $0x0;
	s7 =	sadd.s32 s7, s10  }
0xb: {  	vm0 =	vmmov $0xffff;
	[sflag:s9] =	ssyncpa.u1 $0x0;
	s10 =	simm.s32 $0x0;
	s9 =	sadd.s32 $0x1, s7  }
.LBB2_4:
0xc: {  	_ =	sdelay $0x3  }
0xd: {  	[tilespmem:s20], [sflag:$0x1] =	stream.indirect_vreg.gather [hbm4b:s2+s10], $0x1, v0, vm0, $0x4038;
	[tilespmem:$0xA000] =	vst v63  }
0xe: {  	s14 =	sadd.s32 s17, s14  }
0xf: {  	v0 =	vld.msk [tilespmem:s14+$0x0 ss:$0x1], $0xffff;
	_ =	sdelay $0x4  }
0x10: {  	v1 =	vshrl.u32 v0, $0x5  }
0x11: {  	vm1 =	veq.s32 v0, $0x80000000;
	v1 =	vand.u32 $0x3FFF, v1  }
0x12: {  	v0 =	vshll.u32 v0, $0x10;
	v1 =	vsel vm1, $0xFFFFFFFF, v1  }
0x13: {  	v0 =	vand.u32 $0x1F0000, v0;
	v2 =	vshll.u32 v1, $0x2  }
0x14: {  	v0 =	vsel vm1, $0xFFFF0000, v0;
	v2 =	vand.u32 $0xFFFFFE00, v2  }
0x15: {  	v1 =	vand.u32 $0x7F, v1;
	v0 =	vadd.s32 v0, v2  }
0x16: {  	v0 =	vor.u32 v1, v0;
	_ =	sdelay $0x1  }
0x17: {  	s28 =	sand.u32 $0x3E00, s16  }
0x18: {  	s15 =	sand.u32 $0x70, s15;
	(ifvalue) =	ssetifvalue $0x7FFFFFFF;
	s14 =	sadd.s32 s28, s13;
	v1 =	vor.u32 $0x80, v0  }
0x19: {  	s14 =	sadd.s32 s15, s14;
	(ifvalue) =	ssetifvalue $0x7FFFFFFF  }
0x1a: {  	[tilespmem:s14], [sflag:$0x1] =	stream.indirect_vreg.gather [hbm4b:s2+s10], $0x1, v0, vm0, $0x4038;
	[tilespmem:$0xA000] =	vst v63  }
0x1b: {  	v63 =	vor.u32 $0x100, v0;
	(ifvalue) =	ssetifvalue $0x7FFFFFFF  }
0x1c: {  	s15 =	sadd.s32 $0x80, s14;
	(ifvalue) =	ssetifvalue $0x7FFFFFFF  }
0x1d: {  	[tilespmem:s15], [sflag:$0x1] =	stream.indirect_vreg.gather [hbm4b:s2+s10], $0x1, v1, vm0, $0x4038;
	[tilespmem:$0xA000] =	vst v63  }
0x1e: {  	v0 =	vor.u32 $0x180, v0;
	(ifvalue) =	ssetifvalue $0x7FFFFFFF  }
0x1f: {  	s29 =	sadd.s32 $0x100, s14;
	(ifvalue) =	ssetifvalue $0x7FFFFFFF  }
0x20: {  	[tilespmem:s29], [sflag:$0x1] =	stream.indirect_vreg.gather [hbm4b:s2+s10], $0x1, v63, vm0, $0x4038;
	[tilespmem:$0xA000] =	vst v63  }
0x21: {  	(ifvalue) =	ssetifvalue $0x7FFFFFFF  }
0x22: {  	s30 =	sshll.u32 s12, $0x2;
	s14 =	sadd.s32 $0x180, s14;
	(ifvalue) =	ssetifvalue $0x7FFFFFFF  }
0x23: {  	[tilespmem:s14], [sflag:$0x1] =	stream.indirect_vreg.gather [hbm4b:s2+s10], $0x1, v0, vm0, $0x4038;
	[tilespmem:$0xA000] =	vst v63  }
0x24: {  	s31 =	sand.u32 $0x78, s12;
	s14 =	sand.u32 $0x7FFFFE00, s30  }
0x25: {  	_ =	swait.ge [sflag:s4], $0x4000;
	s12 =	sor.u32 s31, s14  }
0x26: {  	[sflag:s4] =	ssyncset.done $0x0;
	s12 =	sshrl.u32 s12, $0x3  }
0x27: {  	[sflag:s4] =	ssyncadd.s32 $0xFFFFC000;
	s12 =	sadd.s32 s6, s12  }
0x28: {  	[hbm:s12] =	stream.linear.scatter [tilespmem:s13], [sflag:$0x3], $0x4000, $0x38;
	[tilespmem:$0xA000] =	vst v63  }
.LBB2_5:
0x29: {  	p2 =	sne.s32 s11, s9  }
.Ltmp1:
0x2a: {  	p1 =	slt.u32 s11, $0x2;
	(pc) =	sbr.rel @!p2 .LBB2_6-.Ltmp1, $4  }
0x2b: {  	s12 =	simm.s32 @!p1 $0x3  }
0x2c: {  	_ =	swait.ge @!p1 [sflag:s12], $0x4000  }
0x2d: {  	s13 =	sadd.s32 $0x1, s11;
	p0 =	por !p0, !p0;
	[sflag:s12] =	ssyncset.done @!p1 $0x0  }
0x2e: {  	s11 =	smov.u32 s13;
	[sflag:s12] =	ssyncadd.s32 @!p1 $0xFFFFC000;
	s12 =	smov.u32 s3  }
.LBB2_1:
0x2f: {  	p1 =	sge.u32 s11, s7  }
0x30: {  	s13 =	sxor.u32 @!p1 $0xFFFFFFFF, s11  }
0x31: {  	s13 =	sshll.u32 @!p1 s13, $0xC  }
0x32: {  	s31 =	sadd.s32 $0xFFFFFFFF, s11;
	s14 =	simm.s32 @!p1 $0x0;
	s13 =	sand.u32 @!p1 $0x1000, s13  }
0x33: {  	[tilespmem:s13], [sflag:$0x2] =	stream.linear.gather @!p1 [hbm4b:s8+s14], $0x1000, $0x38;
	[tilespmem:$0xA000] =	vst v63  }
0x34: {  	p1 =	sge.u32 s31, s7  }
.Ltmp2:
0x35: {  	_ = 	snop;
	(pc) =	sbr.rel @p1 .LBB2_5-.Ltmp2, $1  }
0x36: {  	_ =	sdelay $0x3  }
0x37: {  	s13 =	simm.s32 $0x1  }
0x38: {  	_ =	swait.ge [sflag:s5], $0x1000;
	s13 =	simm.s32 @!p0 $0x0  }
0x39: {  	[sflag:s5] =	ssyncset.done $0x0;
	s14 =	sshll.u32 s13, $0xC  }
0x3a: {  	[sflag:s5] =	ssyncadd.s32 $0xFFFFF000;
	s13 =	sadd.s32 $0x0, s14  }
0x3b: {  	v0 =	vld.msk [tilespmem:s13+$0x0 ss:$0x1], $0xffff;
	_ =	sdelay $0x4  }
0x3c: {  	v1 =	vshrl.u32 v0, $0x5  }
0x3d: {  	vm1 =	veq.s32 v0, $0x80000000;
	v1 =	vand.u32 $0x3FFF, v1  }
0x3e: {  	v0 =	vshll.u32 v0, $0x10;
	v1 =	vsel vm1, $0xFFFFFFFF, v1  }
0x3f: {  	v0 =	vand.u32 $0x1F0000, v0;
	v2 =	vshll.u32 v1, $0x2  }
0x40: {  	v0 =	vsel vm1, $0xFFFF0000, v0;
	v2 =	vand.u32 $0xFFFFFE00, v2  }
0x41: {  	v1 =	vand.u32 $0x7F, v1;
	v0 =	vadd.s32 v0, v2  }
0x42: {  	s31 =	sshll.u32 s11, $0xE;
	v0 =	vor.u32 v1, v0  }
0x43: {  	s15 =	simm.s32 $0x0;
	s13 =	sand.u32 $0x4000, s31  }
0x44: {  	s16 =	sand.u32 $0x3E00, s15;
	s13 =	sor.u32 $0x2000, s13  }
0x45: {  	s15 =	sand.u32 $0x70, s15;
	(ifvalue) =	ssetifvalue $0x7FFFFFFF;
	s16 =	sadd.s32 s16, s13;
	v1 =	vor.u32 $0x80, v0  }
0x46: {  	(ifvalue) =	ssetifvalue $0x7FFFFFFF;
	s20 =	sadd.s32 s15, s16  }
0x47: {  	[tilespmem:s20], [sflag:$0x1] =	stream.indirect_vreg.gather [hbm4b:s2+s10], $0x1, v0, vm0, $0x4038;
	[tilespmem:$0xA000] =	vst v63  }
0x48: {  	v2 =	vor.u32 $0x100, v0;
	(ifvalue) =	ssetifvalue $0x7FFFFFFF  }
0x49: {  	s15 =	sadd.s32 $0x80, s20;
	(ifvalue) =	ssetifvalue $0x7FFFFFFF  }
0x4a: {  	[tilespmem:s15], [sflag:$0x1] =	stream.indirect_vreg.gather [hbm4b:s2+s10], $0x1, v1, vm0, $0x4038;
	[tilespmem:$0xA000] =	vst v63  }
0x4b: {  	s18 =	simm.s32 $0x20;
	v0 =	vor.u32 $0x180, v0;
	(ifvalue) =	ssetifvalue $0x7FFFFFFF  }
0x4c: {  	s19 =	simm.s32 $0x80;
	s17 =	sadd.s32 $0x100, s20;
	(ifvalue) =	ssetifvalue $0x7FFFFFFF  }
0x4d: {  	[tilespmem:s17], [sflag:$0x1] =	stream.indirect_vreg.gather [hbm4b:s2+s10], $0x1, v2, vm0, $0x4038;
	[tilespmem:$0xA000] =	vst v63  }
0x4e: {  	s16 =	simm.s32 $0x40;
	s20 =	sadd.s32 $0x180, s20;
	(ifvalue) =	ssetifvalue $0x7FFFFFFF  }
0x4f: {  	s15 =	simm.s32 $0x10;
	s17 =	simm.s32 $0x10;
	(ifvalue) =	ssetifvalue $0x7FFFFFFF  }
.LBB2_3:
0x50: {  	[tilespmem:s20], [sflag:$0x1] =	stream.indirect_vreg.gather [hbm4b:s2+s10], $0x1, v0, vm0, $0x4038;
	[tilespmem:$0xA000] =	vst v63  }
0x51: {  	p1 =	sne.s32 s18, $0xFF0;
	s20 =	sadd.s32 s17, s14;
	s17 =	sshra.s32 s19, $0x2  }
0x52: {  	v0 =	vld.msk [tilespmem:s20+$0x0 ss:$0x1], $0xffff;
	s20 =	smov.u32 s18;
	s18 =	sadd.s32 $0x10, s18  }
0x53: {  	(ifvalue) =	ssetifvalue $0x7FFFFFFF;
	_ =	sdelay $0x4  }
0x54: {  	v1 =	vshrl.u32 v0, $0x5;
	v2 =	vshll.u32 v0, $0x10  }
0x55: {  	vm1 =	veq.s32 v0, $0x80000000;
	v0 =	vand.u32 $0x3FFF, v1;
	v1 =	vand.u32 $0x1F0000, v2  }
0x56: {  	v0 =	vsel vm1, $0xFFFFFFFF, v0;
	v1 =	vsel vm1, $0xFFFF0000, v1  }
0x57: {  	v2 =	vshll.u32 v0, $0x2  }
0x58: {  	v2 =	vand.u32 $0xFFFFFE00, v2  }
0x59: {  	v0 =	vand.u32 $0x7F, v0;
	v1 =	vadd.s32 v1, v2  }
0x5a: {  	v0 =	vor.u32 v0, v1;
	_ =	sdelay $0x1  }
0x5b: {  	s21 =	sand.u32 $0x3E00, s16;
	s16 =	smov.u32 s19  }
0x5c: {  	s22 =	sand.u32 $0x70, s15;
	s21 =	sadd.s32 s21, s13;
	s15 =	smov.u32 s20;
	v1 =	vor.u32 $0x80, v0  }
0x5d: {  	s20 =	sadd.s32 s22, s21;
	(ifvalue) =	ssetifvalue $0x7FFFFFFF  }
0x5e: {  	[tilespmem:s20], [sflag:$0x1] =	stream.indirect_vreg.gather [hbm4b:s2+s10], $0x1, v0, vm0, $0x4038;
	[tilespmem:$0xA000] =	vst v63  }
0x5f: {  	v2 =	vor.u32 $0x100, v0;
	(ifvalue) =	ssetifvalue $0x7FFFFFFF  }
0x60: {  	s21 =	sadd.s32 $0x80, s20;
	(ifvalue) =	ssetifvalue $0x7FFFFFFF  }
0x61: {  	[tilespmem:s21], [sflag:$0x1] =	stream.indirect_vreg.gather [hbm4b:s2+s10], $0x1, v1, vm0, $0x4038;
	[tilespmem:$0xA000] =	vst v63  }
.Ltmp3:
0x62: {  	v0 =	vor.u32 $0x180, v0;
	(ifvalue) =	ssetifvalue $0x7FFFFFFF;
	(pc) =	sbr.rel @p1 .LBB2_3-.Ltmp3, $4  }
0x63: {  	s21 =	sadd.s32 $0x100, s20;
	(ifvalue) =	ssetifvalue $0x7FFFFFFF  }
0x64: {  	[tilespmem:s21], [sflag:$0x1] =	stream.indirect_vreg.gather [hbm4b:s2+s10], $0x1, v2, vm0, $0x4038;
	[tilespmem:$0xA000] =	vst v63  }
0x65: {  	(ifvalue) =	ssetifvalue $0x7FFFFFFF  }
0x66: {  	s19 =	sadd.s32 $0x40, s19;
	s20 =	sadd.s32 $0x180, s20;
	(ifvalue) =	ssetifvalue $0x7FFFFFFF  }
.Ltmp4:
0x67: {  	_ = 	snop;
	(pc) =	sbr.rel .LBB2_4-.Ltmp4, $1  }
0x68: {  	_ =	sdelay $0x3  }
.LBB2_6:
0x69: {  	_ =	sfence.sel $0x180000  }
0x6a: {  	s2 =	simm.s32 $0x2;
	[bflag:$0x0] =	sbarrier.arrive $0xFFFF  }
0x6b: {  	s30 =	simm.s32 $0x3;
	[sflag:s2] =	ssyncpa.u1 $0x1  }
0x6c: {  	s31 =	simm.s32 $0x1;
	[sflag:s30] =	ssyncpa.u1 $0x1  }
0x6d: {  	[sflag:s31] =	ssyncpa.u1 $0x1  }
0x6e: {  	p0 =	sne.s32 s0, $0x0;
	_ =	strace $0x9000004A  }
0x6f: {  	s0 =	sadd.s32 @!p0 $0x100000, s1;
	[bflag:$0x2] =	sbarrier.arrive $0xFFFF  }
0x70: {  	[sflag:s0] =	ssyncadd.tile.s32 @!p0 $0x1;
	_ =	shalt  }
.Lfunc_end2:
_tile_overlayer_lowered:
.L_overlay_start_2:
0x71: {  	(tag) =	ssettag $0x2  }
0x72: {  	s0 =	rddreg [dreg:$0x0];
	s2 =	stileid.u32  }
0x73: {  	s1 =	rddreg [dreg:$0x1];
	p0 =	sne.s32 s2, $0x0  }
0x74: {  	s3 =	rddreg [dreg:$0x2];
	[bflag:$0x3] =	sbarrier.arrive $0xFFFF;
	s2 =	simm.s32 @!p0 $0x1C01  }
0x75: {  	[timem:s3], [sflag:s2] =	dma.local @!p0 [hbm:s0], s1  }
0x76: {  	s0 =	simm.s32 @!p0 $0x1  }
0x77: {  	_ =	swait.ge @!p0 [sflag:s0], s1  }
0x78: {  	s1 =	ssub.s32 @!p0 $0x0, s1;
	[sflag:s0] =	ssyncset.done @!p0 $0x0  }
0x79: {  	[sflag:s0] =	ssyncadd.s32 @!p0 s1  }
0x7a: {  	[bflag:$0x3] =	sbarrier.arrive $0xFFFF  }
0x7b: {  	_ =	shalt  }

// kernel: sparse-core-data-format-call.cloned.1.call-start
scs
called_computation_lowered:
.L_overlay_start_0:
0x0: {  	s1 =	sld [smem:$0x3FD9]  }
0x1: {  	s2 =	sld [smem:$0x3FFE];
	_ =	sdelay $0x1  }
0x2: {  	s3 =	srdreg.scid  }
0x3: {  	s0 =	sand.u32 $0x1, s3  }
0x4: {  	s17 =	sshll.u32 s0, $0xA;
	s1 =	sadd.s32 s2, s1  }
0x5: {  	s1 =	sadd.s32 s1, s17  }
0x6: {  	[smem:$0x3FB5] =	sst s1  }
0x7: {  	_ = 	snop  }
0x8: {  	(tm) =	ssettm $0x1  }
0x9: {  	s18 =	sld [smem:$0x3FFB];
	_ =	sdelay $0x3  }
0xa: {  	_ =	strace s18  }
0xb: {  	s1 =	sld [smem:$0x3FFC];
	_ =	sdelay $0x3  }
0xc: {  	_ =	strace s1  }
0xd: {  	s1 =	sld [smem:$0x3FFD];
	_ =	sdelay $0x3  }
0xe: {  	_ =	strace s1  }
0xf: {  	_ =	strace $0x8FFFFFFF  }
0x10: {  	s19 =	sld [smem:$0x3FDB];
	_ =	sdelay $0x1  }
0x11: {  	s20 =	simm.s32 $_scs_section_size  }
0x12: {  	s4 =	simm.s32 $_size__tile_overlayer_lowered;
	s5 =	simm.s32 $_tile_overlayer_lowered  }
0x13: {  	s23 =	simm.s32 $0x1BFF;
	s22 =	sshll.u32 s5, $0x1;
	s1 =	sadd.s32 s20, s19  }
0x14: {  	s6 =	simm.s32 $0x0;
	s21 =	sshll.u32 s4, $0x1;
	s4 =	sadd.s32 s22, s1  }
0x15: {  	[timem:s6], [sflag:s23] =	dma.local [hbm:s4], s21  }
0x16: {  	_ =	swait.ge [sflag:s23], s21  }
0x17: {  	s2 =	ssub.s32 $0x0, s21;
	[sflag:s23] =	ssyncset.done $0x0  }
0x18: {  	[sflag:s23] =	ssyncadd.s32 s2;
	_ =	sdelay $0x1  }
0x19: {  	s24 =	simm.s32 $0x1B8B  }
0x1a: {  	_ =	swait.ge [sflag:s24], $0x1  }
0x1b: {  	[sflag:s24] =	ssyncset.done $0x0  }
0x1c: {  	s26 =	simm.s32 $0x1B8E;
	s25 =	sld [smem:$0x3FFE];
	[sflag:s24] =	ssyncadd.s32 $0xFFFFFFFF  }
0x1d: {  	s27 =	simm.s32 $execute0_lowered;
	[smem:$0x3FD2] =	sst s26  }
0x1e: {  	s4 =	sshll.u32 s27, $0x1;
	_ =	strace $0x80000046;
	[dreg:$0x1] =	wrdreg $0xFFFFFFFF  }
0x1f: {  	s28 =	simm.s32 $_size_execute0_lowered;
	s1 =	sadd.s32 s1, s4;
	[dreg:$0x0] =	wrdreg $0x0  }
0x20: {  	s4 =	sshll.u32 s28, $0x1;
	[dreg:$0x2] =	wrdreg s1  }
0x21: {  	[dreg:$0x3] =	wrdreg s4  }
0x22: {  	[dreg:$0x4] =	wrdreg $0xC0  }
0x23: {  	_ =	task [dreg:s6], $0x5FFFF  }
0x24: {  	[dreg:$0x1] =	wrdreg $0xFFFFFFFF  }
0x25: {  	[dreg:$0x0] =	wrdreg $0x60  }
0x26: {  	[dreg:$0x2] =	wrdreg s25  }
0x27: {  	[dreg:$0x3] =	wrdreg $0x9  }
0x28: {  	_ =	task.clear_ibuf [dreg:s6], $0x4FFFF;
	_ =	strace $0x90000046  }
0x29: {  	s29 =	simm.s32 $0x9;
	_ =	strace $0x80000048  }
0x2a: {  	_ =	swait.ge [sflag:s29], $0x1  }
0x2b: {  	[sflag:s29] =	ssyncadd.s32 $0xFFFFFFFF  }
0x2c: {  	_ =	strace $0x90000048  }
0x2d: {  	_ =	sfence  }
0x2e: {  	s30 =	sld [smem:$0x0];
	_ =	sdelay $0x2  }
0x2f: {  	s31 =	sshll.u32 s3, $0xD;
	s3 =	sshrl.u32 s3, $0x2  }
0x30: {  	s2 =	sand.u32 $0x4000, s31;
	s1 =	sadd.s32 s3, s30  }
0x31: {  	s0 =	sor.u32 s2, s0;
	s1 =	sshll.u32 s1, $0x11  }
0x32: {  	s0 =	sor.u32 s1, s0  }
0x33: {  	s0 =	sadd.s32 $0x8F2B, s0  }
0x34: {  	[sflag:s0] =	ssyncadd.remote.s32 $0x1  }
0x35: {  	_ =	sfence.sel $0xFFFF  }
0x36: {  	[dreg:$0x0] =	wrdreg $0xFFFFFFFF;
	(pc) =	sbr.abs _section_cstart, $3  }
0x37: {  	[dreg:$0x1] =	wrdreg $0xFFFFFFFF  }
0x38: {  	_ =	task.clear_ibuf [dreg:s6], $0x2FFFF;
	_ =	strace $0x9FFFFFFF  }
0x39: {  	(tm) =	ssettm $0x7FFFFFFF  }
tec
execute0_lowered:
.L_overlay_start_1:
0x0: {  	(tag) =	ssettag $0x1  }
0x1: {  	s1 =	rddreg [dreg:$0x0]  }
0x2: {  	s0 =	rddreg [dreg:$0x1]  }
0x3: {  	_ =	strace $0x80000047;
	s4 =	srdreg.scid;
	s6 =	simm.s32 $0x2  }
0x4: {  	s12 =	simm.s32 $0x0;
	p0 =	por $0x0, $0x0;
	s10 =	simm.s32 $0x0  }
.Ltmp0:
0x5: {  	s11 =	simm.s32 $0x0;
	s7 =	simm.s32 $0x0;
	(pc) =	sbr.rel .LBB1_1-.Ltmp0, $4  }
0x6: {  	s2 =	sadd.s32 $0x40800, s1;
	s3 =	sadd.s32 $0x840800, s1;
	s5 =	sshll.u32 s4, $0x4  }
0x7: {  	s1 =	stileid.u32;
	s4 =	simm.s32 $0x1;
	s5 =	sand.u32 $0x10, s5  }
0x8: {  	s8 =	simm.s32 $0x0;
	[sflag:s4] =	ssyncpa.u1 $0x0;
	s5 =	sor.u32 s1, s5  }
0x9: {  	[sflag:s6] =	ssyncpa.u1 $0x0;
	s6 =	simm.s32 $0x0;
	s9 =	smov.u32 s5  }
.LBB1_5:
0xa: {  	s13 =	sadd.s32 $0x80, s7  }
0xb: {  	s10 =	sadd.s32 $0x80, s8;
	s14 =	smov.u32 s8;
	p2 =	sgt.s32 s13, $0x3FFF  }
0xc: {  	s14 =	smov.u32 @p2 s10  }
0xd: {  	s16 =	smov.u32 s9;
	s10 =	sadd.s32 $0x20, s9;
	p3 =	sgt.s32 s14, $0x7F  }
0xe: {  	p1 =	slt.u32 s6, $0x2;
	s16 =	smov.u32 @p3 s10  }
0xf: {  	s6 =	sadd.s32 $0x1, s6;
	s13 =	simm.s32 @p2 $0x0;
	p2 =	sgt.s32 s16, $0x1F  }
0x10: {  	s16 =	smov.u32 @p2 s5;
	p2 =	sne.s32 s6, $0x82  }
.Ltmp1:
0x11: {  	s15 =	simm.s32 @!p1 $0x2;
	(pc) =	sbr.rel @!p2 .LBB1_6-.Ltmp1, $4  }
0x12: {  	s12 =	smov.u32 s7;
	_ =	swait.ge @!p1 [sflag:s15], $0x4000  }
0x13: {  	s11 =	smov.u32 s9;
	p0 =	por !p0, !p0;
	[sflag:s15] =	ssyncset.done @!p1 $0x0  }
0x14: {  	s7 =	smov.u32 s13;
	s14 =	simm.s32 @p3 $0x0;
	s10 =	smov.u32 s8  }
0x15: {  	[sflag:s15] =	ssyncadd.s32 @!p1 $0xFFFFC000;
	s8 =	smov.u32 s14;
	s9 =	smov.u32 s16  }
.LBB1_1:
0x16: {  	p1 =	sgt.u32 s6, $0x7F  }
0x17: {  	s13 =	sxor.u32 @!p1 $0xFFFFFFFF, s6;
	s14 =	sand.u32 @!p1 $0x78, s7;
	s15 =	sshll.u32 @!p1 s8, $0xE  }
0x18: {  	s16 =	sshll.u32 @!p1 s8, $0x7;
	s17 =	sshll.u32 @!p1 s7, $0x3;
	s13 =	sshll.u32 @!p1 s13, $0xE  }
0x19: {  	s15 =	sand.u32 @!p1 $0x1E0000, s15;
	s16 =	sand.u32 @!p1 $0x380, s16;
	s13 =	sand.u32 @!p1 $0x4000, s13  }
0x1a: {  	s15 =	sadd.s32 @!p1 s15, s17;
	s17 =	sand.u32 @!p1 $0x3C00, s17;
	s14 =	sor.u32 @!p1 s16, s14  }
0x1b: {  	s16 =	sshll.u32 @!p1 s9, $0x12;
	s14 =	sor.u32 @!p1 s17, s14;
	s15 =	sshrl.u32 @!p1 s15, $0x3  }
0x1c: {  	s16 =	sadd.s32 @!p1 s2, s16;
	s17 =	sand.u32 @!p1 $0x7, s7;
	s15 =	sand.u32 @!p1 $0x3F800, s15  }
0x1d: {  	s14 =	sshrl.u32 @!p1 s14, $0x3;
	s15 =	sadd.s32 @!p1 s15, s16;
	s16 =	sshll.u32 @!p1 s17, $0x12  }
0x1e: {  	s14 =	sadd.s32 @!p1 s14, s15;
	s15 =	sor.u32 @!p1 $0x400, s16;
	s16 =	simm.s32 @!p1 $0x20000  }
0x1f: {  	[tilespmem:s13], [sflag:$0x1] =	stream.strided.gather @!p1 [hbm4b:s14+s15], $0x4000, s16, s15, $0x38;
	[tilespmem:$0x10100] =	vst v63  }
0x20: {  	p1 =	seq.s32 s6, $0x0  }
0x21: {  	p2 =	seq.s32 @!p1 s6, $0x81  }
0x22: {  	p1 =	por p1, p2  }
.Ltmp2:
0x23: {  	_ = 	snop;
	(pc) =	sbr.rel @p1 .LBB1_5-.Ltmp2, $1  }
0x24: {  	_ =	sdelay $0x3  }
0x25: {  	s13 =	simm.s32 $0x1  }
0x26: {  	_ =	swait.ge [sflag:s4], $0x4000;
	s13 =	simm.s32 @!p0 $0x0  }
0x27: {  	[sflag:s4] =	ssyncset.done $0x0;
	s14 =	sshll.u32 s13, $0xE  }
0x28: {  	[sflag:s4] =	ssyncadd.s32 $0xFFFFC000;
	s16 =	sor.u32 $0x40, s14  }
0x29: {  	s13 =	smul.u32 $0x10200, s13;
	v0 =	vld [tilespmem:s16+$0x30]  }
0x2a: {  	v3 =	vld [tilespmem:s16+$0xFFFFFFD0]  }
0x2b: {  	s13 =	sshrl.u32 s13, $0x2;
	v4 =	vld [tilespmem:s16+$0xFFFFFFE0]  }
0x2c: {  	v5 =	vld [tilespmem:s16+$0xFFFFFFF0];
	s14 =	sor.u32 $0x8000, s13  }
0x2d: {  	s31 =	sand.u32 $0x1, s6;
	v1 =	vld [tilespmem:s16+$0x0];
	s15 =	sadd.s32 $0x0, s14  }
0x2e: {  	v2 =	vld [tilespmem:s16+$0x10];
	s13 =	smul.u32 $0x10200, s31;
	[tilespmem:s15+$0x3870 ss:$0x81] =	vst.msk $0xffff, v0  }
0x2f: {  	[tilespmem:s15+$0x810 ss:$0x81] =	vst.msk $0xffff, v3;
	v3 =	vld [tilespmem:s16+$0x20]  }
0x30: {  	s13 =	sshrl.u32 s13, $0x2;
	v0 =	vld [tilespmem:s16+$0xFFFFFFC0];
	[tilespmem:s15+$0x1020 ss:$0x81] =	vst.msk $0xffff, v4;
	s16 =	sadd.s32 $0x80, s16  }
0x31: {  	s17 =	simm.s32 $0x4;
	s18 =	simm.s32 $0x8;
	s13 =	sor.u32 $0x8000, s13;
	[tilespmem:s15+$0x1830 ss:$0x81] =	vst.msk $0xffff, v5;
	v4 =	vld [tilespmem:s16+$0x30]  }
.LBB1_3:
0x32: {  	p1 =	sne.s32 s18, $0x1FC;
	v5 =	vld [tilespmem:s16+$0xFFFFFFD0];
	[tilespmem:s15+$0x2040 ss:$0x81] =	vst.msk $0xffff, v1  }
0x33: {  	v6 =	vld [tilespmem:s16+$0xFFFFFFE0];
	[tilespmem:s15+$0x2850 ss:$0x81] =	vst.msk $0xffff, v2  }
0x34: {  	s19 =	sshra.s32 s17, $0x2;
	s17 =	smov.u32 s18;
	v7 =	vld [tilespmem:s16+$0xFFFFFFF0];
	[tilespmem:s15+$0x3060 ss:$0x81] =	vst.msk $0xffff, v3  }
.Ltmp3:
0x35: {  	v1 =	vld [tilespmem:s16+$0x0];
	[tilespmem:s15+$0x0 ss:$0x81] =	vst.msk $0xffff, v0;
	s15 =	sadd.s32 s19, s14;
	(pc) =	sbr.rel @p1 .LBB1_3-.Ltmp3, $4  }
0x36: {  	v2 =	vld [tilespmem:s16+$0x10];
	[tilespmem:s15+$0x3870 ss:$0x81] =	vst.msk $0xffff, v4  }
0x37: {  	[tilespmem:s15+$0x810 ss:$0x81] =	vst.msk $0xffff, v5;
	v3 =	vld [tilespmem:s16+$0x20]  }
0x38: {  	v0 =	vld [tilespmem:s16+$0xFFFFFFC0];
	[tilespmem:s15+$0x1020 ss:$0x81] =	vst.msk $0xffff, v6;
	s16 =	sadd.s32 $0x80, s16  }
0x39: {  	s18 =	sadd.s32 $0x4, s18;
	v4 =	vld [tilespmem:s16+$0x30];
	[tilespmem:s15+$0x1830 ss:$0x81] =	vst.msk $0xffff, v7  }
0x3a: {  	v5 =	vld [tilespmem:s16+$0xFFFFFFD0];
	[tilespmem:s15+$0x2040 ss:$0x81] =	vst.msk $0xffff, v1  }
0x3b: {  	v58 =	vld [tilespmem:s16+$0xFFFFFFE0];
	[tilespmem:s15+$0x2850 ss:$0x81] =	vst.msk $0xffff, v2  }
0x3c: {  	s17 =	sshra.s32 s17, $0x2;
	v59 =	vld [tilespmem:s16+$0xFFFFFFF0];
	[tilespmem:s15+$0x3060 ss:$0x81] =	vst.msk $0xffff, v3  }
0x3d: {  	v60 =	vld [tilespmem:s16+$0x0];
	s14 =	sadd.s32 s17, s14;
	[tilespmem:s15+$0x0 ss:$0x81] =	vst.msk $0xffff, v0  }
0x3e: {  	v61 =	vld [tilespmem:s16+$0x10];
	[tilespmem:s14+$0x3870 ss:$0x81] =	vst.msk $0xffff, v4  }
0x3f: {  	v62 =	vld [tilespmem:s16+$0x20];
	s12 =	sshll.u32 s12, $0x7;
	s28 =	sshll.u32 s10, $0x3;
	[tilespmem:s14+$0x810 ss:$0x81] =	vst.msk $0xffff, v5  }
0x40: {  	v63 =	vld [tilespmem:s16+$0xFFFFFFC0];
	s29 =	sand.u32 $0x1FFC00, s12;
	s15 =	sand.u32 $0x1FFC00, s28;
	[tilespmem:s14+$0x1020 ss:$0x81] =	vst.msk $0xffff, v58  }
0x41: {  	s11 =	sshll.u32 s11, $0x12;
	s12 =	sand.u32 $0x380, s12;
	s15 =	sadd.s32 s15, s29;
	[tilespmem:s14+$0x1830 ss:$0x81] =	vst.msk $0xffff, v59  }
.Ltmp4:
0x42: {  	s30 =	sshrl.u32 s10, $0x3;
	[tilespmem:s14+$0x2040 ss:$0x81] =	vst.msk $0xffff, v60;
	s12 =	sor.u32 s12, s15;
	(pc) =	sbr.rel .LBB1_5-.Ltmp4, $4  }
0x43: {  	s11 =	sadd.s32 s3, s11;
	[tilespmem:s14+$0x2850 ss:$0x81] =	vst.msk $0xffff, v61;
	s15 =	sand.u32 $0xF, s30;
	s12 =	sshrl.u32 s12, $0x3  }
0x44: {  	[tilespmem:s14+$0x3060 ss:$0x81] =	vst.msk $0xffff, v62;
	s11 =	sadd.s32 s15, s11;
	s12 =	sand.u32 $0x3FFF0, s12  }
0x45: {  	s31 =	sand.u32 $0x7, s10;
	[tilespmem:s14+$0x0 ss:$0x81] =	vst.msk $0xffff, v63;
	s11 =	sadd.s32 s12, s11  }
0x46: {  	[hbm4b:s11+s31] =	stream.linear.scatter [tilespmem:s13], [sflag:$0x2], $0x4000, $0x20;
	[tilespmem:$0x10100] =	vst v63  }
.LBB1_6:
0x47: {  	_ =	sfence.sel $0x180000  }
0x48: {  	s2 =	simm.s32 $0x1;
	[bflag:$0x0] =	sbarrier.arrive $0xFFFF  }
0x49: {  	s31 =	simm.s32 $0x2;
	[sflag:s2] =	ssyncpa.u1 $0x1  }
0x4a: {  	[sflag:s31] =	ssyncpa.u1 $0x1  }
0x4b: {  	p0 =	sne.s32 s1, $0x0;
	_ =	strace $0x90000047  }
0x4c: {  	s0 =	sadd.s32 @!p0 $0x100000, s0;
	[bflag:$0x2] =	sbarrier.arrive $0xFFFF  }
0x4d: {  	[sflag:s0] =	ssyncadd.tile.s32 @!p0 $0x1;
	_ =	shalt  }
.Lfunc_end1:
_tile_overlayer_lowered:
.L_overlay_start_2:
0x4e: {  	(tag) =	ssettag $0x2  }
0x4f: {  	s0 =	rddreg [dreg:$0x0];
	s2 =	stileid.u32  }
0x50: {  	s1 =	rddreg [dreg:$0x1];
	p0 =	sne.s32 s2, $0x0  }
0x51: {  	s3 =	rddreg [dreg:$0x2];
	[bflag:$0x3] =	sbarrier.arrive $0xFFFF;
	s2 =	simm.s32 @!p0 $0x1C01  }
0x52: {  	[timem:s3], [sflag:s2] =	dma.local @!p0 [hbm:s0], s1  }
0x53: {  	s0 =	simm.s32 @!p0 $0x1  }
0x54: {  	_ =	swait.ge @!p0 [sflag:s0], s1  }
0x55: {  	s1 =	ssub.s32 @!p0 $0x0, s1;
	[sflag:s0] =	ssyncset.done @!p0 $0x0  }
0x56: {  	[sflag:s0] =	ssyncadd.s32 @!p0 s1  }
0x57: {  	[bflag:$0x3] =	sbarrier.arrive $0xFFFF  }
0x58: {  	_ =	shalt  }

</sc_bundles>
